<compile_context>
chip_gen: v7x
topology: tpu7x:2x2x1
jax: 0.10.2.dev20260603
libtpu: 0.0.44.dev20260713+nightly
codegen_flags: <defaults>
</compile_context>

<pallas_src>
import jax
import jax.numpy as jnp
from jax import lax
from jax.experimental import pallas as pl
from jax.experimental.pallas import tpu as pltpu
from jax.experimental.pallas import tpu_sc as plsc

NC = 2
NS = 16
NW = NC * NS

ROWS_W = 128
HALF = 64
UNITS = 50 * (ROWS_W // HALF)


def _body(table_hbm, idx_hbm, out_hbm, idx_v, st0, st1, g0, g1, w0, w1):
    wid = lax.axis_index("s") * NC + lax.axis_index("c")
    col0 = wid * ROWS_W
    stage = (st0, st1)
    gsem = (g0, g1)
    wsem = (w0, w1)

    pltpu.sync_copy(idx_hbm.at[wid], idx_v)

    def dst_of(u):
        j = u // 2
        h = u % 2
        return out_hbm.at[j, pl.ds(col0 + h * HALF, HALF)]

    pltpu.async_copy(table_hbm.at[idx_v.at[0]], st0, g0)
    pltpu.async_copy(table_hbm.at[idx_v.at[1]], st1, g1)

    def step(g, carry):
        for b in range(2):
            u = g * 2 + b
            pltpu.make_async_copy(table_hbm.at[idx_v.at[u]], stage[b], gsem[b]).wait()
            dst = dst_of(u)
            pltpu.async_copy(stage[b], dst, wsem[b])

            @pl.when(u + 2 < UNITS)
            def _():
                pltpu.make_async_copy(stage[b], dst, wsem[b]).wait()
                pltpu.async_copy(table_hbm.at[idx_v.at[u + 2]], stage[b], gsem[b])

        return carry

    lax.fori_loop(0, UNITS // 2, step, 0)

    pltpu.make_async_copy(st0, dst_of(UNITS - 2), w0).wait()
    pltpu.make_async_copy(st1, dst_of(UNITS - 1), w1).wait()


def kernel(ids, kernel):
    table = kernel
    n_rows, d = table.shape
    nb_rows, seq = ids.shape
    assert nb_rows == NW * ROWS_W

    idx = (
        ids.astype(jnp.int32)
        .T.reshape(seq, NW, ROWS_W // HALF, HALF)
        .transpose(1, 0, 2, 3)
        .reshape(NW, UNITS, HALF)
    )
    idx = idx + ((jnp.arange(NW, dtype=jnp.int32) // 4) * n_rows)[:, None, None]
    table_rep = jnp.tile(table, (NW // 4, 1))

    mesh = plsc.VectorSubcoreMesh(
        core_axis_name="c", subcore_axis_name="s", num_cores=NC, num_subcores=NS
    )
    run = pl.kernel(
        _body,
        out_type=jax.ShapeDtypeStruct((seq, nb_rows, d), table.dtype),
        mesh=mesh,
        scratch_types=[
            pltpu.VMEM((UNITS, HALF), jnp.int32),
            pltpu.VMEM((HALF, d), jnp.float32),
            pltpu.VMEM((HALF, d), jnp.float32),
            pltpu.SemaphoreType.DMA,
            pltpu.SemaphoreType.DMA,
            pltpu.SemaphoreType.DMA,
            pltpu.SemaphoreType.DMA,
        ],
    )
    out3 = run(table_rep, idx)
    return out3.transpose(1, 0, 2)

# --- scband reference (transcript-rebuilt; emitter-appended) ---
"""Pipeline reference for scband-my-word-embedding-11879879543804 (READ-ONLY COPY).

The authoritative reference and input builder live on the scoring server;
editing this copy changes nothing except your own understanding.
"""

import jax, jax.numpy as jnp
import numpy as np

def setup_inputs(seed: int = 0) -> dict:
    key = jax.random.key(seed)
    k1, k2 = jax.random.split(key)
    ids = jax.random.randint(k1, (4096, 50), 0, 300, dtype=jnp.int64 if jax.config.jax_enable_x64 else jnp.int32)
    kernel = jax.random.normal(k2, (300, 512), dtype=jnp.float32)
    return {"ids": ids, "kernel": kernel}

def reference(ids, kernel):
    # tf.nn.embedding_lookup(params=kernel, ids=inputs[0])
    return jnp.take(kernel, ids, axis=0)

if __name__ == "__main__":
    import jax
    _d = setup_inputs()
    print(jax.jit(kernel)(*tuple(_d.values())))

</pallas_src>

<mosaic_0001>
#map = affine_map<(d0, d1) -> (0, 0)>
#map1 = affine_map<(d0, d1) -> (0, 0, 0)>
module attributes {stable_mosaic.version = 14 : i64} {
  func.func @_body(%arg0: i32, %arg1: i32, %arg2: memref<2400x512xf32, #tpu.memory_space<hbm>>, %arg3: memref<32x100x64xi32, #tpu.memory_space<hbm>>, %arg4: memref<50x4096x512xf32, #tpu.memory_space<hbm>>, %arg5: memref<100x64xi32, #tpu.memory_space<vmem>>, %arg6: memref<64x512xf32, #tpu.memory_space<vmem>>, %arg7: memref<64x512xf32, #tpu.memory_space<vmem>>, %arg8: memref<!tpu.dma_semaphore, #tpu.memory_space<semaphore_mem>>, %arg9: memref<!tpu.dma_semaphore, #tpu.memory_space<semaphore_mem>>, %arg10: memref<!tpu.dma_semaphore, #tpu.memory_space<semaphore_mem>>, %arg11: memref<!tpu.dma_semaphore, #tpu.memory_space<semaphore_mem>>) attributes {dimension_semantics = [#tpu.dimension_semantics<core_parallel>, #tpu.dimension_semantics<subcore_parallel>], iteration_bounds = array<i64: 2, 16>, scalar_prefetch = 0 : i64, scratch_operands = 7 : i64, tpu.core_type = #tpu.core_type<sc_vector_subcore>, window_params = [{transform_indices = #map}, {transform_indices = #map1}, {transform_indices = #map1}]} {
    %mul3A = arith.constant 2 : i32
    %mul3A_0 = arith.muli %arg1, %mul3A : i32
    %add3A = arith.addi %mul3A_0, %arg0 : i32
    %mul3A_1 = arith.constant 128 : i32
    %mul3A_2 = arith.muli %add3A, %mul3A_1 : i32
    "tpu.region"() ({
      %run_scoped3A = tpu.sem_alloc : memref<!tpu.dma_semaphore, #tpu.memory_space<semaphore_mem>>
      %dma_start3A_38 = arith.constant 0 : i32
      %dma_start3A_39 = arith.constant 0 : i32
      %dma_start3A_40 = tpu.memref_slice %arg3[%add3A, %dma_start3A_38, %dma_start3A_39] : memref<32x100x64xi32, #tpu.memory_space<hbm>> -> memref<1x100x64xi32, #tpu.memory_space<hbm>>
      %dma_start3A_41 = tpu.memref_squeeze %dma_start3A_40 : memref<1x100x64xi32, #tpu.memory_space<hbm>> -> memref<100x64xi32, #tpu.memory_space<hbm>>
      %dma_start3A_42 = arith.constant 0 : i32
      %dma_start3A_43 = arith.constant 0 : i32
      %dma_start3A_44 = tpu.memref_slice %arg3[%add3A, %dma_start3A_42, %dma_start3A_43] : memref<32x100x64xi32, #tpu.memory_space<hbm>> -> memref<1x100x64xi32, #tpu.memory_space<hbm>>
      %dma_start3A_45 = tpu.memref_squeeze %dma_start3A_44 : memref<1x100x64xi32, #tpu.memory_space<hbm>> -> memref<100x64xi32, #tpu.memory_space<hbm>>
      tpu.enqueue_dma source(%dma_start3A_45 : memref<100x64xi32, #tpu.memory_space<hbm>>) target(%arg5 : memref<100x64xi32, #tpu.memory_space<vmem>>) target_semaphore(%run_scoped3A : memref<!tpu.dma_semaphore, #tpu.memory_space<semaphore_mem>>)
      %dma_wait3A_46 = arith.constant 0 : i32
      %dma_wait3A_47 = arith.constant 0 : i32
      %dma_wait3A_48 = tpu.memref_slice %arg3[%add3A, %dma_wait3A_46, %dma_wait3A_47] : memref<32x100x64xi32, #tpu.memory_space<hbm>> -> memref<1x100x64xi32, #tpu.memory_space<hbm>>
      %dma_wait3A_49 = tpu.memref_squeeze %dma_wait3A_48 : memref<1x100x64xi32, #tpu.memory_space<hbm>> -> memref<100x64xi32, #tpu.memory_space<hbm>>
      %dma_wait3A_50 = arith.constant 0 : i32
      %dma_wait3A_51 = arith.constant 0 : i32
      %dma_wait3A_52 = tpu.memref_slice %arg3[%add3A, %dma_wait3A_50, %dma_wait3A_51] : memref<32x100x64xi32, #tpu.memory_space<hbm>> -> memref<1x100x64xi32, #tpu.memory_space<hbm>>
      %dma_wait3A_53 = tpu.memref_squeeze %dma_wait3A_52 : memref<1x100x64xi32, #tpu.memory_space<hbm>> -> memref<100x64xi32, #tpu.memory_space<hbm>>
      tpu.wait_dma2 semaphore(%run_scoped3A : memref<!tpu.dma_semaphore, #tpu.memory_space<semaphore_mem>>) src(%dma_wait3A_53 : memref<100x64xi32, #tpu.memory_space<hbm>>) dst(%arg5 : memref<100x64xi32, #tpu.memory_space<vmem>>)
      tpu.yield
    }) : () -> ()
    %dma_start3A = arith.constant 0 : i32
    %dma_start3A_3 = arith.constant 0 : i32
    %dma_start3A_4 = tpu.memref_slice %arg5[%dma_start3A, %dma_start3A_3] : memref<100x64xi32, #tpu.memory_space<vmem>> -> memref<1x64xi32, #tpu.memory_space<vmem>>
    %dma_start3A_5 = tpu.memref_squeeze %dma_start3A_4 : memref<1x64xi32, #tpu.memory_space<vmem>> -> memref<64xi32, #tpu.memory_space<vmem>>
    %dma_start3A_6 = arith.constant 0 : i32
    %dma_start3A_7 = arith.constant 0 : i32
    %dma_start3A_8 = tpu.memref_slice %arg2[%dma_start3A_6, %dma_start3A_7] : memref<2400x512xf32, #tpu.memory_space<hbm>> -> memref<2400x512xf32, #tpu.memory_space<hbm>>
    tpu.enqueue_indirect_dma source(%dma_start3A_8 : memref<2400x512xf32, #tpu.memory_space<hbm>>) target(%arg6 : memref<64x512xf32, #tpu.memory_space<vmem>>) offsets(%dma_start3A_5 : memref<64xi32, #tpu.memory_space<vmem>>) semaphore(%arg8 : memref<!tpu.dma_semaphore, #tpu.memory_space<semaphore_mem>>)
    %dma_start3A_9 = arith.constant 1 : i32
    %dma_start3A_10 = arith.constant 0 : i32
    %dma_start3A_11 = tpu.memref_slice %arg5[%dma_start3A_9, %dma_start3A_10] : memref<100x64xi32, #tpu.memory_space<vmem>> -> memref<1x64xi32, #tpu.memory_space<vmem>>
    %dma_start3A_12 = tpu.memref_squeeze %dma_start3A_11 : memref<1x64xi32, #tpu.memory_space<vmem>> -> memref<64xi32, #tpu.memory_space<vmem>>
    %dma_start3A_13 = arith.constant 0 : i32
    %dma_start3A_14 = arith.constant 0 : i32
    %dma_start3A_15 = tpu.memref_slice %arg2[%dma_start3A_13, %dma_start3A_14] : memref<2400x512xf32, #tpu.memory_space<hbm>> -> memref<2400x512xf32, #tpu.memory_space<hbm>>
    tpu.enqueue_indirect_dma source(%dma_start3A_15 : memref<2400x512xf32, #tpu.memory_space<hbm>>) target(%arg7 : memref<64x512xf32, #tpu.memory_space<vmem>>) offsets(%dma_start3A_12 : memref<64xi32, #tpu.memory_space<vmem>>) semaphore(%arg9 : memref<!tpu.dma_semaphore, #tpu.memory_space<semaphore_mem>>)
    %scan3A = arith.constant 0 : i32
    %scan3A_16 = arith.constant 0 : i32
    %scan3A_17 = arith.constant 50 : i32
    %scan3A_18 = arith.addi %scan3A_16, %scan3A_17 : i32
    %scan3A_19 = arith.constant 1 : i32
    scf.for %scan3A_38 = %scan3A_16 to %scan3A_18 step %scan3A_19  : i32 {
      %mul3A_39 = arith.constant 2 : i32
      %mul3A_40 = arith.muli %scan3A_38, %mul3A_39 : i32
      %add3A_41 = arith.constant 0 : i32
      %add3A_42 = arith.addi %mul3A_40, %add3A_41 : i32
      %dma_wait3A_43 = arith.constant 0 : i32
      %dma_wait3A_44 = tpu.memref_slice %arg5[%add3A_42, %dma_wait3A_43] : memref<100x64xi32, #tpu.memory_space<vmem>> -> memref<1x64xi32, #tpu.memory_space<vmem>>
      %dma_wait3A_45 = tpu.memref_squeeze %dma_wait3A_44 : memref<1x64xi32, #tpu.memory_space<vmem>> -> memref<64xi32, #tpu.memory_space<vmem>>
      %dma_wait3A_46 = arith.constant 0 : i32
      %dma_wait3A_47 = arith.constant 0 : i32
      %dma_wait3A_48 = tpu.memref_slice %arg2[%dma_wait3A_46, %dma_wait3A_47] : memref<2400x512xf32, #tpu.memory_space<hbm>> -> memref<2400x512xf32, #tpu.memory_space<hbm>>
      tpu.wait_indirect_dma semaphore(%arg8 : memref<!tpu.dma_semaphore, #tpu.memory_space<semaphore_mem>>) src(%dma_wait3A_48 : memref<2400x512xf32, #tpu.memory_space<hbm>>) dst(%arg6 : memref<64x512xf32, #tpu.memory_space<vmem>>)
      %jit3A = arith.constant 2 : i32
      %div3A = arith.divsi %add3A_42, %jit3A : i32
      %sign3A = arith.constant 0 : i32
      %sign3A_49 = arith.cmpi sgt, %add3A_42, %sign3A : i32
      %sign3A_50 = arith.extui %sign3A_49 : i1 to i32
      %sign3A_51 = arith.constant 0 : i32
      %sign3A_52 = arith.cmpi slt, %add3A_42, %sign3A_51 : i32
      %sign3A_53 = arith.extui %sign3A_52 : i1 to i32
      %sign3A_54 = arith.subi %sign3A_50, %sign3A_53 : i32
      %sign3A_55 = arith.constant 0 : i32
      %sign3A_56 = arith.cmpi sgt, %jit3A, %sign3A_55 : i32
      %sign3A_57 = arith.extui %sign3A_56 : i1 to i32
      %sign3A_58 = arith.constant 0 : i32
      %sign3A_59 = arith.cmpi slt, %jit3A, %sign3A_58 : i32
      %sign3A_60 = arith.extui %sign3A_59 : i1 to i32
      %sign3A_61 = arith.subi %sign3A_57, %sign3A_60 : i32
      %ne3A = arith.cmpi ne, %sign3A_54, %sign3A_61 : i32
      %rem3A = arith.remsi %add3A_42, %jit3A : i32
      %ne3A_62 = arith.constant 0 : i32
      %ne3A_63 = arith.cmpi ne, %rem3A, %ne3A_62 : i32
      %and3A = arith.andi %ne3A, %ne3A_63 : i1
      %sub3A = arith.constant 1 : i32
      %sub3A_64 = arith.subi %div3A, %sub3A : i32
      %select_n3A = arith.select %and3A, %sub3A_64, %div3A : i32
      %jit3A_65 = arith.constant 2 : i32
      %eq3A = arith.constant 0 : i32
      %eq3A_66 = arith.cmpi eq, %jit3A_65, %eq3A : i32
      %jit3A_67 = arith.constant 1 : i32
      %select_n3A_68 = arith.select %eq3A_66, %jit3A_67, %jit3A_65 : i32
      %rem3A_69 = arith.remsi %add3A_42, %select_n3A_68 : i32
      %ne3A_70 = arith.constant 0 : i32
      %ne3A_71 = arith.cmpi ne, %rem3A_69, %ne3A_70 : i32
      %lt3A = arith.constant 0 : i32
      %lt3A_72 = arith.cmpi slt, %rem3A_69, %lt3A : i32
      %lt3A_73 = arith.constant 0 : i32
      %lt3A_74 = arith.cmpi slt, %select_n3A_68, %lt3A_73 : i32
      %ne3A_75 = arith.xori %lt3A_72, %lt3A_74 : i1
      %and3A_76 = arith.andi %ne3A_75, %ne3A_71 : i1
      %add3A_77 = arith.addi %rem3A_69, %select_n3A_68 : i32
      %select_n3A_78 = arith.select %and3A_76, %add3A_77, %rem3A_69 : i32
      %mul3A_79 = arith.constant 64 : i32
      %mul3A_80 = arith.muli %select_n3A_78, %mul3A_79 : i32
      %add3A_81 = arith.addi %mul3A_2, %mul3A_80 : i32
      %dma_start3A_82 = arith.constant 0 : i32
      %dma_start3A_83 = tpu.memref_slice %arg4[%select_n3A, %add3A_81, %dma_start3A_82] : memref<50x4096x512xf32, #tpu.memory_space<hbm>> -> memref<1x64x512xf32, #tpu.memory_space<hbm>>
      %dma_start3A_84 = tpu.memref_squeeze %dma_start3A_83 : memref<1x64x512xf32, #tpu.memory_space<hbm>> -> memref<64x512xf32, #tpu.memory_space<hbm>>
      %dma_start3A_85 = arith.constant 0 : i32
      %dma_start3A_86 = tpu.memref_slice %arg4[%select_n3A, %add3A_81, %dma_start3A_85] : memref<50x4096x512xf32, #tpu.memory_space<hbm>> -> memref<1x64x512xf32, #tpu.memory_space<hbm>>
      %dma_start3A_87 = tpu.memref_squeeze %dma_start3A_86 : memref<1x64x512xf32, #tpu.memory_space<hbm>> -> memref<64x512xf32, #tpu.memory_space<hbm>>
      tpu.enqueue_dma source(%arg6 : memref<64x512xf32, #tpu.memory_space<vmem>>) target(%dma_start3A_87 : memref<64x512xf32, #tpu.memory_space<hbm>>) target_semaphore(%arg10 : memref<!tpu.dma_semaphore, #tpu.memory_space<semaphore_mem>>)
      %add3A_88 = arith.constant 2 : i32
      %add3A_89 = arith.addi %add3A_42, %add3A_88 : i32
      %lt3A_90 = arith.constant 100 : i32
      %lt3A_91 = arith.cmpi slt, %add3A_89, %lt3A_90 : i32
      %convert_element_type3A = arith.extui %lt3A_91 : i1 to i32
      %cond3A = arith.constant 0 : i32
      %cond3A_92 = arith.cmpi ne, %convert_element_type3A, %cond3A : i32
      scf.if %cond3A_92 {
        %dma_wait3A_159 = arith.constant 0 : i32
        %dma_wait3A_160 = tpu.memref_slice %arg4[%select_n3A, %add3A_81, %dma_wait3A_159] : memref<50x4096x512xf32, #tpu.memory_space<hbm>> -> memref<1x64x512xf32, #tpu.memory_space<hbm>>
        %dma_wait3A_161 = tpu.memref_squeeze %dma_wait3A_160 : memref<1x64x512xf32, #tpu.memory_space<hbm>> -> memref<64x512xf32, #tpu.memory_space<hbm>>
        %dma_wait3A_162 = arith.constant 0 : i32
        %dma_wait3A_163 = tpu.memref_slice %arg4[%select_n3A, %add3A_81, %dma_wait3A_162] : memref<50x4096x512xf32, #tpu.memory_space<hbm>> -> memref<1x64x512xf32, #tpu.memory_space<hbm>>
        %dma_wait3A_164 = tpu.memref_squeeze %dma_wait3A_163 : memref<1x64x512xf32, #tpu.memory_space<hbm>> -> memref<64x512xf32, #tpu.memory_space<hbm>>
        tpu.wait_dma2 semaphore(%arg10 : memref<!tpu.dma_semaphore, #tpu.memory_space<semaphore_mem>>) src(%arg6 : memref<64x512xf32, #tpu.memory_space<vmem>>) dst(%dma_wait3A_164 : memref<64x512xf32, #tpu.memory_space<hbm>>)
        %add3A_165 = arith.constant 2 : i32
        %add3A_166 = arith.addi %add3A_42, %add3A_165 : i32
        %dma_start3A_167 = arith.constant 0 : i32
        %dma_start3A_168 = tpu.memref_slice %arg5[%add3A_166, %dma_start3A_167] : memref<100x64xi32, #tpu.memory_space<vmem>> -> memref<1x64xi32, #tpu.memory_space<vmem>>
        %dma_start3A_169 = tpu.memref_squeeze %dma_start3A_168 : memref<1x64xi32, #tpu.memory_space<vmem>> -> memref<64xi32, #tpu.memory_space<vmem>>
        %dma_start3A_170 = arith.constant 0 : i32
        %dma_start3A_171 = arith.constant 0 : i32
        %dma_start3A_172 = tpu.memref_slice %arg2[%dma_start3A_170, %dma_start3A_171] : memref<2400x512xf32, #tpu.memory_space<hbm>> -> memref<2400x512xf32, #tpu.memory_space<hbm>>
        tpu.enqueue_indirect_dma source(%dma_start3A_172 : memref<2400x512xf32, #tpu.memory_space<hbm>>) target(%arg6 : memref<64x512xf32, #tpu.memory_space<vmem>>) offsets(%dma_start3A_169 : memref<64xi32, #tpu.memory_space<vmem>>) semaphore(%arg8 : memref<!tpu.dma_semaphore, #tpu.memory_space<semaphore_mem>>)
      } else {
      }
      %mul3A_93 = arith.constant 2 : i32
      %mul3A_94 = arith.muli %scan3A_38, %mul3A_93 : i32
      %add3A_95 = arith.constant 1 : i32
      %add3A_96 = arith.addi %mul3A_94, %add3A_95 : i32
      %dma_wait3A_97 = arith.constant 0 : i32
      %dma_wait3A_98 = tpu.memref_slice %arg5[%add3A_96, %dma_wait3A_97] : memref<100x64xi32, #tpu.memory_space<vmem>> -> memref<1x64xi32, #tpu.memory_space<vmem>>
      %dma_wait3A_99 = tpu.memref_squeeze %dma_wait3A_98 : memref<1x64xi32, #tpu.memory_space<vmem>> -> memref<64xi32, #tpu.memory_space<vmem>>
      %dma_wait3A_100 = arith.constant 0 : i32
      %dma_wait3A_101 = arith.constant 0 : i32
      %dma_wait3A_102 = tpu.memref_slice %arg2[%dma_wait3A_100, %dma_wait3A_101] : memref<2400x512xf32, #tpu.memory_space<hbm>> -> memref<2400x512xf32, #tpu.memory_space<hbm>>
      tpu.wait_indirect_dma semaphore(%arg9 : memref<!tpu.dma_semaphore, #tpu.memory_space<semaphore_mem>>) src(%dma_wait3A_102 : memref<2400x512xf32, #tpu.memory_space<hbm>>) dst(%arg7 : memref<64x512xf32, #tpu.memory_space<vmem>>)
      %jit3A_103 = arith.constant 2 : i32
      %div3A_104 = arith.divsi %add3A_96, %jit3A_103 : i32
      %sign3A_105 = arith.constant 0 : i32
      %sign3A_106 = arith.cmpi sgt, %add3A_96, %sign3A_105 : i32
      %sign3A_107 = arith.extui %sign3A_106 : i1 to i32
      %sign3A_108 = arith.constant 0 : i32
      %sign3A_109 = arith.cmpi slt, %add3A_96, %sign3A_108 : i32
      %sign3A_110 = arith.extui %sign3A_109 : i1 to i32
      %sign3A_111 = arith.subi %sign3A_107, %sign3A_110 : i32
      %sign3A_112 = arith.constant 0 : i32
      %sign3A_113 = arith.cmpi sgt, %jit3A_103, %sign3A_112 : i32
      %sign3A_114 = arith.extui %sign3A_113 : i1 to i32
      %sign3A_115 = arith.constant 0 : i32
      %sign3A_116 = arith.cmpi slt, %jit3A_103, %sign3A_115 : i32
      %sign3A_117 = arith.extui %sign3A_116 : i1 to i32
      %sign3A_118 = arith.subi %sign3A_114, %sign3A_117 : i32
      %ne3A_119 = arith.cmpi ne, %sign3A_111, %sign3A_118 : i32
      %rem3A_120 = arith.remsi %add3A_96, %jit3A_103 : i32
      %ne3A_121 = arith.constant 0 : i32
      %ne3A_122 = arith.cmpi ne, %rem3A_120, %ne3A_121 : i32
      %and3A_123 = arith.andi %ne3A_119, %ne3A_122 : i1
      %sub3A_124 = arith.constant 1 : i32
      %sub3A_125 = arith.subi %div3A_104, %sub3A_124 : i32
      %select_n3A_126 = arith.select %and3A_123, %sub3A_125, %div3A_104 : i32
      %jit3A_127 = arith.constant 2 : i32
      %eq3A_128 = arith.constant 0 : i32
      %eq3A_129 = arith.cmpi eq, %jit3A_127, %eq3A_128 : i32
      %jit3A_130 = arith.constant 1 : i32
      %select_n3A_131 = arith.select %eq3A_129, %jit3A_130, %jit3A_127 : i32
      %rem3A_132 = arith.remsi %add3A_96, %select_n3A_131 : i32
      %ne3A_133 = arith.constant 0 : i32
      %ne3A_134 = arith.cmpi ne, %rem3A_132, %ne3A_133 : i32
      %lt3A_135 = arith.constant 0 : i32
      %lt3A_136 = arith.cmpi slt, %rem3A_132, %lt3A_135 : i32
      %lt3A_137 = arith.constant 0 : i32
      %lt3A_138 = arith.cmpi slt, %select_n3A_131, %lt3A_137 : i32
      %ne3A_139 = arith.xori %lt3A_136, %lt3A_138 : i1
      %and3A_140 = arith.andi %ne3A_139, %ne3A_134 : i1
      %add3A_141 = arith.addi %rem3A_132, %select_n3A_131 : i32
      %select_n3A_142 = arith.select %and3A_140, %add3A_141, %rem3A_132 : i32
      %mul3A_143 = arith.constant 64 : i32
      %mul3A_144 = arith.muli %select_n3A_142, %mul3A_143 : i32
      %add3A_145 = arith.addi %mul3A_2, %mul3A_144 : i32
      %dma_start3A_146 = arith.constant 0 : i32
      %dma_start3A_147 = tpu.memref_slice %arg4[%select_n3A_126, %add3A_145, %dma_start3A_146] : memref<50x4096x512xf32, #tpu.memory_space<hbm>> -> memref<1x64x512xf32, #tpu.memory_space<hbm>>
      %dma_start3A_148 = tpu.memref_squeeze %dma_start3A_147 : memref<1x64x512xf32, #tpu.memory_space<hbm>> -> memref<64x512xf32, #tpu.memory_space<hbm>>
      %dma_start3A_149 = arith.constant 0 : i32
      %dma_start3A_150 = tpu.memref_slice %arg4[%select_n3A_126, %add3A_145, %dma_start3A_149] : memref<50x4096x512xf32, #tpu.memory_space<hbm>> -> memref<1x64x512xf32, #tpu.memory_space<hbm>>
      %dma_start3A_151 = tpu.memref_squeeze %dma_start3A_150 : memref<1x64x512xf32, #tpu.memory_space<hbm>> -> memref<64x512xf32, #tpu.memory_space<hbm>>
      tpu.enqueue_dma source(%arg7 : memref<64x512xf32, #tpu.memory_space<vmem>>) target(%dma_start3A_151 : memref<64x512xf32, #tpu.memory_space<hbm>>) target_semaphore(%arg11 : memref<!tpu.dma_semaphore, #tpu.memory_space<semaphore_mem>>)
      %add3A_152 = arith.constant 2 : i32
      %add3A_153 = arith.addi %add3A_96, %add3A_152 : i32
      %lt3A_154 = arith.constant 100 : i32
      %lt3A_155 = arith.cmpi slt, %add3A_153, %lt3A_154 : i32
      %convert_element_type3A_156 = arith.extui %lt3A_155 : i1 to i32
      %cond3A_157 = arith.constant 0 : i32
      %cond3A_158 = arith.cmpi ne, %convert_element_type3A_156, %cond3A_157 : i32
      scf.if %cond3A_158 {
        %dma_wait3A_159 = arith.constant 0 : i32
        %dma_wait3A_160 = tpu.memref_slice %arg4[%select_n3A_126, %add3A_145, %dma_wait3A_159] : memref<50x4096x512xf32, #tpu.memory_space<hbm>> -> memref<1x64x512xf32, #tpu.memory_space<hbm>>
        %dma_wait3A_161 = tpu.memref_squeeze %dma_wait3A_160 : memref<1x64x512xf32, #tpu.memory_space<hbm>> -> memref<64x512xf32, #tpu.memory_space<hbm>>
        %dma_wait3A_162 = arith.constant 0 : i32
        %dma_wait3A_163 = tpu.memref_slice %arg4[%select_n3A_126, %add3A_145, %dma_wait3A_162] : memref<50x4096x512xf32, #tpu.memory_space<hbm>> -> memref<1x64x512xf32, #tpu.memory_space<hbm>>
        %dma_wait3A_164 = tpu.memref_squeeze %dma_wait3A_163 : memref<1x64x512xf32, #tpu.memory_space<hbm>> -> memref<64x512xf32, #tpu.memory_space<hbm>>
        tpu.wait_dma2 semaphore(%arg11 : memref<!tpu.dma_semaphore, #tpu.memory_space<semaphore_mem>>) src(%arg7 : memref<64x512xf32, #tpu.memory_space<vmem>>) dst(%dma_wait3A_164 : memref<64x512xf32, #tpu.memory_space<hbm>>)
        %add3A_165 = arith.constant 2 : i32
        %add3A_166 = arith.addi %add3A_96, %add3A_165 : i32
        %dma_start3A_167 = arith.constant 0 : i32
        %dma_start3A_168 = tpu.memref_slice %arg5[%add3A_166, %dma_start3A_167] : memref<100x64xi32, #tpu.memory_space<vmem>> -> memref<1x64xi32, #tpu.memory_space<vmem>>
        %dma_start3A_169 = tpu.memref_squeeze %dma_start3A_168 : memref<1x64xi32, #tpu.memory_space<vmem>> -> memref<64xi32, #tpu.memory_space<vmem>>
        %dma_start3A_170 = arith.constant 0 : i32
        %dma_start3A_171 = arith.constant 0 : i32
        %dma_start3A_172 = tpu.memref_slice %arg2[%dma_start3A_170, %dma_start3A_171] : memref<2400x512xf32, #tpu.memory_space<hbm>> -> memref<2400x512xf32, #tpu.memory_space<hbm>>
        tpu.enqueue_indirect_dma source(%dma_start3A_172 : memref<2400x512xf32, #tpu.memory_space<hbm>>) target(%arg7 : memref<64x512xf32, #tpu.memory_space<vmem>>) offsets(%dma_start3A_169 : memref<64xi32, #tpu.memory_space<vmem>>) semaphore(%arg9 : memref<!tpu.dma_semaphore, #tpu.memory_space<semaphore_mem>>)
      } else {
      }
    }
    %scan3A_20 = arith.constant 50 : i32
    %add3A_21 = arith.constant 0 : i32
    %add3A_22 = arith.addi %mul3A_2, %add3A_21 : i32
    %dma_wait3A = arith.constant 49 : i32
    %dma_wait3A_23 = arith.constant 0 : i32
    %dma_wait3A_24 = tpu.memref_slice %arg4[%dma_wait3A, %add3A_22, %dma_wait3A_23] : memref<50x4096x512xf32, #tpu.memory_space<hbm>> -> memref<1x64x512xf32, #tpu.memory_space<hbm>>
    %dma_wait3A_25 = tpu.memref_squeeze %dma_wait3A_24 : memref<1x64x512xf32, #tpu.memory_space<hbm>> -> memref<64x512xf32, #tpu.memory_space<hbm>>
    %dma_wait3A_26 = arith.constant 0 : i32
    %dma_wait3A_27 = tpu.memref_slice %arg4[%dma_wait3A, %add3A_22, %dma_wait3A_26] : memref<50x4096x512xf32, #tpu.memory_space<hbm>> -> memref<1x64x512xf32, #tpu.memory_space<hbm>>
    %dma_wait3A_28 = tpu.memref_squeeze %dma_wait3A_27 : memref<1x64x512xf32, #tpu.memory_space<hbm>> -> memref<64x512xf32, #tpu.memory_space<hbm>>
    tpu.wait_dma2 semaphore(%arg10 : memref<!tpu.dma_semaphore, #tpu.memory_space<semaphore_mem>>) src(%arg6 : memref<64x512xf32, #tpu.memory_space<vmem>>) dst(%dma_wait3A_28 : memref<64x512xf32, #tpu.memory_space<hbm>>)
    %add3A_29 = arith.constant 64 : i32
    %add3A_30 = arith.addi %mul3A_2, %add3A_29 : i32
    %dma_wait3A_31 = arith.constant 49 : i32
    %dma_wait3A_32 = arith.constant 0 : i32
    %dma_wait3A_33 = tpu.memref_slice %arg4[%dma_wait3A_31, %add3A_30, %dma_wait3A_32] : memref<50x4096x512xf32, #tpu.memory_space<hbm>> -> memref<1x64x512xf32, #tpu.memory_space<hbm>>
    %dma_wait3A_34 = tpu.memref_squeeze %dma_wait3A_33 : memref<1x64x512xf32, #tpu.memory_space<hbm>> -> memref<64x512xf32, #tpu.memory_space<hbm>>
    %dma_wait3A_35 = arith.constant 0 : i32
    %dma_wait3A_36 = tpu.memref_slice %arg4[%dma_wait3A_31, %add3A_30, %dma_wait3A_35] : memref<50x4096x512xf32, #tpu.memory_space<hbm>> -> memref<1x64x512xf32, #tpu.memory_space<hbm>>
    %dma_wait3A_37 = tpu.memref_squeeze %dma_wait3A_36 : memref<1x64x512xf32, #tpu.memory_space<hbm>> -> memref<64x512xf32, #tpu.memory_space<hbm>>
    tpu.wait_dma2 semaphore(%arg11 : memref<!tpu.dma_semaphore, #tpu.memory_space<semaphore_mem>>) src(%arg7 : memref<64x512xf32, #tpu.memory_space<vmem>>) dst(%dma_wait3A_37 : memref<64x512xf32, #tpu.memory_space<hbm>>)
    return
  }
}

</mosaic_0001>

<sc_bundles>
// kernel: kernel.4.cloned.1.call-start
scs
__scs_entry_jumppad:
0x0: {  	(pc) =	sbr.rel $0x88, $3  }
0x1: {  	(tag) =	ssettag $0x0;
	lr =	simm.s32 $0x1  }
0x2: {  	[smem:$0x3F9F] =	sst lr;
	_ =	strace $0xD0000000  }
0x3: {  	_ = 	snop  }
0x4: {  	_ = 	snop  }
0x5: {  	_ = 	snop  }
0x6: {  	_ = 	snop  }
0x7: {  	_ = 	snop  }
__scs_overlays_trampoline_lowered:
0x8: {  	[smem:$0x3FAE] =	sst s0  }
0x9: {  	[smem:$0x3FAF] =	sst s1  }
0xa: {  	[smem:$0x3FB0] =	sst s2  }
0xb: {  	[smem:$0x3FB1] =	sst s3  }
0xc: {  	[smem:$0x3FB2] =	sst s4  }
0xd: {  	[smem:$0x3FB3] =	sst s5  }
0xe: {  	[smem:$0x3FB4] =	sst s6  }
0xf: {  	[smem:$0x3FB5] =	sst s7  }
0x10: {  	[smem:$0x3FB6] =	sst s8  }
0x11: {  	[smem:$0x3FB7] =	sst s9;
	s0 =	simm.s32 @!p0 $0x0  }
0x12: {  	s1 =	sld [smem:$0x3F9D];
	s0 =	simm.s32 @p0 $0x1  }
0x13: {  	[smem:$0x3FB8] =	sst s0;
	s0 =	simm.s32 @!p1 $0x0  }
0x14: {  	s2 =	sld [smem:$0x3F9C];
	s0 =	simm.s32 @p1 $0x1  }
0x15: {  	[smem:$0x3FB9] =	sst s0;
	s0 =	simm.s32 @!p2 $0x0  }
0x16: {  	s3 =	sld [smem:$0x3FDB];
	s0 =	simm.s32 @p2 $0x1  }
0x17: {  	s4 =	simm.s32 $0x1BF5;
	[smem:$0x3FBB] =	sst s0  }
0x18: {  	s0 =	sld [smem:$0x3F9E];
	_ =	swait.ge [sflag:s4], $0x0  }
0x19: {  	s7 =	sld [smem:$0x3F9F]  }
0x1a: {  	s8 =	sadd.s32 $0xFFFFE003, lr  }
0x1b: {  	s9 =	sadd.s32 $0xFFFFFEF7, lr;
	s5 =	simm.s32 $0xFFFFFFFF;
	p2 =	slt.u32 s8, $0xFFFFF086  }
0x1c: {  	p1 =	slt.u32 s9, $0xF7A;
	s5 =	simm.s32 @!p2 $0x0  }
0x1d: {  	s5 =	simm.s32 @p1 $0x1;
	p0 =	seq.s32 s7, s2  }
0x1e: {  	s7 =	smul.u32 @!p0 $0xF7A, s2;
	p2 =	seq.s32 @!p0 s5, $0x0  }
0x1f: {  	s9 =	smul.u32 $0xF7A, s1;
	s8 =	simm.s32 @!p0 $0x1BF5;
	p2 =	por !p2, p0  }
0x20: {  	[sflag:s8] =	ssyncset.s32 @!p0 $0xFFFFF086;
	s6 =	sadd.s32 @!p0 s3, s7;
	s7 =	simm.s32 @!p0 $0x108  }
0x21: {  	s3 =	sadd.s32 s3, s9;
	s6 =	sadd.s32 @!p0 $0x88, s6;
	s7 =	simm.s32 @p2 $0x1082  }
0x22: {  	[simem:s7], [sflag:s8] =	dma.local @!p0 [hbm:s6], $0xF7A  }
0x23: {  	s9 =	sor.u32 $0xD0000000, s2;
	s6 =	simm.s32 $0x108;
	_ =	swait.ge @!p0 [sflag:s8], $0x0  }
0x24: {  	s3 =	sadd.s32 $0x88, s3;
	s6 =	simm.s32 @!p1 $0x1082;
	[sflag:s4] =	ssyncset.s32 $0xFFFFF086  }
0x25: {  	[simem:s6], [sflag:s4] =	dma.local [hbm:s3], $0xF7A  }
0x26: {  	[smem:$0x3F9F] =	sst s1;
	(tag) =	ssettag s2;
	_ =	strace s9  }
0x27: {  	s1 =	sld [smem:$0x3FAF]  }
0x28: {  	s2 =	sld [smem:$0x3FB0]  }
0x29: {  	s4 =	sld [smem:$0x3FB2]  }
0x2a: {  	p0 =	seq.s32 s5, $0x0;
	s5 =	sld [smem:$0x3FB3]  }
0x2b: {  	s6 =	sld [smem:$0x3FB4]  }
0x2c: {  	s7 =	sld [smem:$0x3FB5]  }
0x2d: {  	s3 =	simm.s32 $0x108;
	s8 =	sld [smem:$0x3FB6]  }
0x2e: {  	s3 =	simm.s32 @!p0 $0x1082;
	s9 =	sld [smem:$0x3FB7]  }
0x2f: {  	lr =	sadd.s32 s0, s3;
	s0 =	sld [smem:$0x3FAE]  }
0x30: {  	s3 =	sld [smem:$0x3FB1]  }
0x31: {  	[smem:$0x3FBA] =	sst s10  }
0x32: {  	s10 =	sld [smem:$0x3FB8];
	_ =	sdelay $0x3  }
0x33: {  	p0 =	seq.s32 s10, $0x1;
	s10 =	sld [smem:$0x3FBA];
	_ =	sdelay $0x3  }
0x34: {  	[smem:$0x3FBA] =	sst s10  }
0x35: {  	s10 =	sld [smem:$0x3FB9];
	_ =	sdelay $0x3  }
0x36: {  	p1 =	seq.s32 s10, $0x1;
	s10 =	sld [smem:$0x3FBA];
	_ =	sdelay $0x3  }
0x37: {  	[smem:$0x3FBA] =	sst s10  }
0x38: {  	s10 =	sld [smem:$0x3FBB]  }
0x39: {  	_ = 	snop;
	(pc) =	sbr.ind lr, $3  }
0x3a: {  	_ = 	snop  }
0x3b: {  	_ = 	snop  }
0x3c: {  	p2 =	seq.s32 s10, $0x1;
	s10 =	sld [smem:$0x3FBA]  }
0x3d: {  	_ =	shalt  }
0x3e: {  	_ =	shalt  }
0x3f: {  	_ =	shalt  }
0x40: {  	_ =	shalt  }
0x41: {  	_ =	shalt  }
0x42: {  	_ =	shalt  }
0x43: {  	_ =	shalt  }
0x44: {  	_ =	shalt  }
0x45: {  	_ =	shalt  }
0x46: {  	_ =	shalt  }
0x47: {  	_ =	shalt  }
0x48: {  	_ =	shalt  }
0x49: {  	_ =	shalt  }
0x4a: {  	_ =	shalt  }
0x4b: {  	_ =	shalt  }
0x4c: {  	_ =	shalt  }
0x4d: {  	_ =	shalt  }
0x4e: {  	_ =	shalt  }
0x4f: {  	_ =	shalt  }
0x50: {  	_ =	shalt  }
0x51: {  	_ =	shalt  }
0x52: {  	_ =	shalt  }
0x53: {  	_ =	shalt  }
0x54: {  	_ =	shalt  }
0x55: {  	_ =	shalt  }
0x56: {  	_ =	shalt  }
0x57: {  	_ =	shalt  }
0x58: {  	_ =	shalt  }
0x59: {  	_ =	shalt  }
0x5a: {  	_ =	shalt  }
0x5b: {  	_ =	shalt  }
0x5c: {  	_ =	shalt  }
0x5d: {  	_ =	shalt  }
0x5e: {  	_ =	shalt  }
0x5f: {  	_ =	shalt  }
0x60: {  	_ =	shalt  }
0x61: {  	_ =	shalt  }
0x62: {  	_ =	shalt  }
0x63: {  	_ =	shalt  }
0x64: {  	_ =	shalt  }
0x65: {  	_ =	shalt  }
0x66: {  	_ =	shalt  }
0x67: {  	_ =	shalt  }
0x68: {  	_ =	shalt  }
0x69: {  	_ =	shalt  }
0x6a: {  	_ =	shalt  }
0x6b: {  	_ =	shalt  }
0x6c: {  	_ =	shalt  }
0x6d: {  	_ =	shalt  }
0x6e: {  	_ =	shalt  }
0x6f: {  	_ =	shalt  }
0x70: {  	_ =	shalt  }
0x71: {  	_ =	shalt  }
0x72: {  	_ =	shalt  }
0x73: {  	_ =	shalt  }
0x74: {  	_ =	shalt  }
0x75: {  	_ =	shalt  }
0x76: {  	_ =	shalt  }
0x77: {  	_ =	shalt  }
0x78: {  	_ =	shalt  }
0x79: {  	_ =	shalt  }
0x7a: {  	_ =	shalt  }
0x7b: {  	_ =	shalt  }
0x7c: {  	_ =	shalt  }
0x7d: {  	_ =	shalt  }
0x7e: {  	_ =	shalt  }
0x7f: {  	_ =	shalt  }
0x80: {  	_ =	shalt  }
0x81: {  	_ =	shalt  }
0x82: {  	_ =	shalt  }
0x83: {  	_ =	shalt  }
0x84: {  	_ =	shalt  }
0x85: {  	_ =	shalt  }
0x86: {  	_ =	shalt  }
0x87: {  	_ =	shalt  }
.Lfunc_end0:
.L_simem_size_0:
called_computation_lowered:
.L_overlay_start_0:
0x88: {  	s2 =	sld [smem:$0x3FD9]  }
0x89: {  	s3 =	sld [smem:$0x3FFE];
	_ =	sdelay $0x1  }
0x8a: {  	s1 =	srdreg.scid  }
0x8b: {  	s0 =	sand.u32 $0x1, s1  }
0x8c: {  	s17 =	sshll.u32 s0, $0xA;
	s2 =	sadd.s32 s3, s2  }
0x8d: {  	s2 =	sadd.s32 s2, s17  }
0x8e: {  	[smem:$0x3FC6] =	sst s2  }
0x8f: {  	_ = 	snop  }
0x90: {  	s2 =	sld [smem:$0x3FD0];
	(tm) =	ssettm $0x1  }
0x91: {  	s18 =	sld [smem:$0x3FFB];
	_ =	sdelay $0x3  }
0x92: {  	_ =	strace s18  }
0x93: {  	s3 =	sld [smem:$0x3FFC];
	_ =	sdelay $0x3  }
0x94: {  	_ =	strace s3  }
0x95: {  	s3 =	sld [smem:$0x3FFD];
	_ =	sdelay $0x3  }
0x96: {  	_ =	strace s3  }
0x97: {  	_ =	strace $0x8FFFFFFF  }
0x98: {  	s19 =	sld [smem:$0x3FDB];
	_ =	sdelay $0x1  }
0x99: {  	s4 =	simm.s32 $_scs_section_size  }
0x9a: {  	s5 =	simm.s32 $_size__tile_overlayer_lowered;
	s6 =	simm.s32 $_tile_overlayer_lowered  }
0x9b: {  	s22 =	simm.s32 $0x1BFF;
	s21 =	sshll.u32 s6, $0x1;
	s3 =	sadd.s32 s4, s19  }
0x9c: {  	s7 =	simm.s32 $0x0;
	s20 =	sshll.u32 s5, $0x1;
	s5 =	sadd.s32 s21, s3  }
0x9d: {  	[timem:s7], [sflag:s22] =	dma.local [hbm:s5], s20  }
0x9e: {  	_ =	swait.ge [sflag:s22], s20  }
0x9f: {  	s4 =	ssub.s32 $0x0, s20;
	[sflag:s22] =	ssyncset.done $0x0  }
0xa0: {  	[sflag:s22] =	ssyncadd.s32 s4;
	_ =	sdelay $0x1  }
0xa1: {  	s23 =	simm.s32 $0x1B8B  }
0xa2: {  	_ =	swait.ge [sflag:s23], $0x1  }
0xa3: {  	[sflag:s23] =	ssyncset.done $0x0  }
0xa4: {  	s25 =	simm.s32 $0x1B8E;
	s24 =	sld [smem:$0x3FFE];
	[sflag:s23] =	ssyncadd.s32 $0xFFFFFFFF  }
0xa5: {  	s26 =	simm.s32 $execute0_lowered;
	[smem:$0x3FD2] =	sst s25  }
0xa6: {  	s5 =	sshll.u32 s26, $0x1;
	_ =	strace $0x80000046;
	[dreg:$0x1] =	wrdreg $0xFFFFFFFF  }
0xa7: {  	s28 =	simm.s32 $_size_execute0_lowered;
	s3 =	sadd.s32 s3, s5;
	[dreg:$0x0] =	wrdreg $0x0  }
0xa8: {  	s5 =	sshll.u32 s28, $0x1;
	[dreg:$0x2] =	wrdreg s3  }
0xa9: {  	[dreg:$0x3] =	wrdreg s5  }
0xaa: {  	[dreg:$0x4] =	wrdreg $0xC0  }
0xab: {  	_ =	task [dreg:s7], $0x5FFFF  }
0xac: {  	[dreg:$0x1] =	wrdreg $0xFFFFFFFF  }
0xad: {  	[dreg:$0x0] =	wrdreg $0x60  }
0xae: {  	[dreg:$0x2] =	wrdreg s24  }
0xaf: {  	[dreg:$0x3] =	wrdreg s2  }
0xb0: {  	[dreg:$0x4] =	wrdreg $0x9  }
0xb1: {  	_ =	task.clear_ibuf [dreg:s7], $0x5FFFF;
	_ =	strace $0x90000046  }
0xb2: {  	s29 =	simm.s32 $0x9;
	_ =	strace $0x80000048  }
0xb3: {  	_ =	swait.ge [sflag:s29], $0x1  }
0xb4: {  	[sflag:s29] =	ssyncadd.s32 $0xFFFFFFFF  }
0xb5: {  	_ =	strace $0x90000048  }
0xb6: {  	_ =	sfence  }
0xb7: {  	s30 =	sld [smem:$0x0];
	_ =	sdelay $0x2  }
0xb8: {  	s31 =	sshll.u32 s1, $0xD;
	s1 =	sshrl.u32 s1, $0x2  }
0xb9: {  	s3 =	sand.u32 $0x4000, s31;
	s1 =	sadd.s32 s1, s30  }
0xba: {  	s0 =	sor.u32 s3, s0;
	s1 =	sshll.u32 s1, $0x11  }
0xbb: {  	s0 =	sor.u32 s1, s0  }
0xbc: {  	s0 =	sadd.s32 $0x8F2B, s0  }
0xbd: {  	[sflag:s0] =	ssyncadd.remote.s32 $0x1  }
0xbe: {  	_ =	sfence.sel $0xFFFF  }
0xbf: {  	[dreg:$0x0] =	wrdreg $0xFFFFFFFF;
	(pc) =	sbr.abs _section_cstart, $3  }
0xc0: {  	[dreg:$0x1] =	wrdreg $0xFFFFFFFF  }
0xc1: {  	_ =	task.clear_ibuf [dreg:s7], $0x2FFFF;
	_ =	strace $0x9FFFFFFF  }
0xc2: {  	(tm) =	ssettm $0x7FFFFFFF  }
0xc3: {  	_ =	shalt  }
tec
execute0_lowered:
.L_overlay_start_1:
0x0: {  	(tag) =	ssettag $0x1  }
0x1: {  	s0 =	srdreg.scid  }
0x2: {  	s9 =	stileid.u32;
	s1 =	rddreg [dreg:$0x0]  }
0x3: {  	s4 =	rddreg [dreg:$0x1];
	s31 =	simm.s32 $0x3400;
	s28 =	simm.s32 $0x6C00  }
0x4: {  	s29 =	simm.s32 $0x7400;
	s30 =	simm.s32 $0x7C00;
	s11 =	simm.s32 $0xC400  }
0x5: {  	s12 =	simm.s32 $0xCC00;
	s13 =	simm.s32 $0xD400;
	s14 =	simm.s32 $0xDC00  }
0x6: {  	s10 =	simm.s32 $0xE400;
	s15 =	simm.s32 $0x1;
	s16 =	simm.s32 $0x3  }
0x7: {  	s17 =	simm.s32 $0x2;
	s18 =	simm.s32 $0x4;
	s19 =	simm.s32 $0x0  }
0x8: {  	s0 =	sand.u32 $0x1, s0;
	s2 =	sshll.u32 s9, $0x1;
	s22 =	sshll.u32 s9, $0xE  }
0x9: {  	s9 =	simm.s32 $0xBC00;
	s6 =	sor.u32 s0, s2;
	s2 =	simm.s32 $0x0  }
0xa: {  	s5 =	ssub.s32 $0x2, s0;
	s24 =	sadd.s32 s22, s4;
	s0 =	sshll.u32 s0, $0xD  }
0xb: {  	s22 =	simm.s32 $0x4400;
	s3 =	smul.u32 $0x680, s6;
	[smem:$0x7FF] =	sst s2  }
0xc: {  	s8 =	sshrl.u32 s5, $0x1;
	s21 =	sshll.u32 s6, $0xD;
	s0 =	sadd.s32 s0, s24  }
0xd: {  	s24 =	simm.s32 $0x5C00;
	s6 =	simm.s32 $0xAC00;
	_ =	strace $0x80000047  }
0xe: {  	s8 =	ssub.s32 s5, s8;
	s5 =	sadd.s32 $0x700, s1;
	s23 =	sadd.s32 s4, s21  }
0xf: {  	[dreg:$0x3] =	wrdreg s0;
	s21 =	simm.s32 $0x3C00;
	s0 =	simm.s32 $0x8C00  }
0x10: {  	s4 =	simm.s32 $0x9400;
	[dreg:$0x8] =	wrdreg s19;
	s7 =	sadd.s32 s3, s1  }
0x11: {  	s3 =	sadd.s32 $0x600, s1;
	[dreg:$0x5] =	wrdreg s23;
	s25 =	sadd.s32 $0xC41000, s23  }
0x12: {  	s26 =	smax.u32 s8, $0x1;
	s23 =	simm.s32 $0x5400;
	s8 =	simm.s32 $0xA400  }
0x13: {  	v2 =	vlaneseq.u32;
	s1 =	simm.s32 $0xB400;
	s20 =	sadd.s32 $0x25E00, s7;
	[dreg:$0x6] =	wrdreg s25  }
0x14: {  	vm0 =	vmmov $0xffff;
	v1 =	vshrl.u32 v2, $0x3;
	[dreg:$0x7] =	wrdreg s26;
	s25 =	simm.s32 $0x6400;
	s26 =	simm.s32 $0x8400  }
0x15: {  	v0 =	vand.u32 $0x7, v2;
	v2 =	vor.u32 $0x8, v2;
	v1 =	vmul.u32 $0x8, v1;
	s7 =	simm.s32 $0x9C00;
	[dreg:$0x4] =	wrdreg s20;
	s20 =	simm.s32 $0x4C00  }
.LBB2_1:
0x16: {  	s19 =	rddreg [dreg:$0x4]  }
0x17: {  	[tilespmem:s2], [sflag:$0x5] =	stream.linear.gather [hbm4b:s19+s2], $0x3200, $0x38;
	[tilespmem:$0x13400] =	vst v63  }
0x18: {  	s19 =	simm.s32 $0x5  }
0x19: {  	_ =	swait.ge [sflag:s19], $0x3200  }
0x1a: {  	[sflag:s19] =	ssyncset.done $0x0  }
0x1b: {  	[sflag:s19] =	ssyncadd.s32 $0xFFFFCE00  }
0x1c: {  	v3 =	vld [tilespmem:$0x0];
	_ =	sdelay $0x4  }
0x1d: {  	v4 =	vshll.u32 v3, $0x2  }
0x1e: {  	v3 =	vand.u32 $0x7, v3;
	v4 =	vand.u32 $0xFFFFFFE0, v4  }
0x1f: {  	v3 =	vor.u32 v3, v4  }
0x20: {  	v4 =	vperm.xlane v3, v0;
	_ =	sdelay $0x1  }
0x21: {  	v4 =	vadd.s32 v1, v4;
	_ =	sdelay $0x1  }
0x22: {  	v3 =	vperm.xlane v3, v2;
	_ =	sdelay $0x1  }
0x23: {  	v3 =	vadd.s32 v1, v3  }
0x24: {  	[tilespmem:s31], [sflag:$0x1] =	stream.indirect_vreg.gather [hbm4b:s3+s2], $0x80, v4, vm0, $0xb8;
	[tilespmem:$0x13400] =	vst v63  }
0x25: {  	_ = 	snop  }
0x26: {  	[tilespmem:s21], [sflag:$0x1] =	stream.indirect_vreg.gather [hbm4b:s5+s2], $0x80, v4, vm0, $0xb8;
	[tilespmem:$0x13400] =	vst v63  }
0x27: {  	_ = 	snop  }
0x28: {  	[tilespmem:s22], [sflag:$0x1] =	stream.indirect_vreg.gather [hbm4b:s3+s2], $0x80, v3, vm0, $0xb8;
	[tilespmem:$0x13400] =	vst v63  }
0x29: {  	_ = 	snop  }
0x2a: {  	[tilespmem:s20], [sflag:$0x1] =	stream.indirect_vreg.gather [hbm4b:s5+s2], $0x80, v3, vm0, $0xb8;
	[tilespmem:$0x13400] =	vst v63  }
0x2b: {  	v3 =	vld [tilespmem:$0x10];
	_ =	sdelay $0x4  }
0x2c: {  	v57 =	vshll.u32 v3, $0x2  }
0x2d: {  	v3 =	vand.u32 $0x7, v3;
	v4 =	vand.u32 $0xFFFFFFE0, v57  }
0x2e: {  	v3 =	vor.u32 v3, v4  }
0x2f: {  	v4 =	vperm.xlane v3, v0;
	_ =	sdelay $0x1  }
0x30: {  	v4 =	vadd.s32 v1, v4;
	_ =	sdelay $0x1  }
0x31: {  	v3 =	vperm.xlane v3, v2;
	_ =	sdelay $0x1  }
0x32: {  	v3 =	vadd.s32 v1, v3  }
0x33: {  	[tilespmem:s23], [sflag:$0x1] =	stream.indirect_vreg.gather [hbm4b:s3+s2], $0x80, v4, vm0, $0xb8;
	[tilespmem:$0x13400] =	vst v63  }
0x34: {  	_ = 	snop  }
0x35: {  	[tilespmem:s24], [sflag:$0x1] =	stream.indirect_vreg.gather [hbm4b:s5+s2], $0x80, v4, vm0, $0xb8;
	[tilespmem:$0x13400] =	vst v63  }
0x36: {  	_ = 	snop  }
0x37: {  	[tilespmem:s25], [sflag:$0x1] =	stream.indirect_vreg.gather [hbm4b:s3+s2], $0x80, v3, vm0, $0xb8;
	[tilespmem:$0x13400] =	vst v63  }
0x38: {  	_ = 	snop  }
0x39: {  	[tilespmem:s28], [sflag:$0x1] =	stream.indirect_vreg.gather [hbm4b:s5+s2], $0x80, v3, vm0, $0xb8;
	[tilespmem:$0x13400] =	vst v63  }
0x3a: {  	v3 =	vld [tilespmem:$0x20];
	_ =	sdelay $0x4  }
0x3b: {  	v58 =	vshll.u32 v3, $0x2  }
0x3c: {  	v3 =	vand.u32 $0x7, v3;
	v4 =	vand.u32 $0xFFFFFFE0, v58  }
0x3d: {  	v3 =	vor.u32 v3, v4  }
0x3e: {  	v4 =	vperm.xlane v3, v0;
	_ =	sdelay $0x1  }
0x3f: {  	v4 =	vadd.s32 v1, v4;
	_ =	sdelay $0x1  }
0x40: {  	v3 =	vperm.xlane v3, v2;
	_ =	sdelay $0x1  }
0x41: {  	v3 =	vadd.s32 v1, v3  }
0x42: {  	[tilespmem:s29], [sflag:$0x1] =	stream.indirect_vreg.gather [hbm4b:s3+s2], $0x80, v4, vm0, $0xb8;
	[tilespmem:$0x13400] =	vst v63  }
0x43: {  	_ = 	snop  }
0x44: {  	[tilespmem:s30], [sflag:$0x1] =	stream.indirect_vreg.gather [hbm4b:s5+s2], $0x80, v4, vm0, $0xb8;
	[tilespmem:$0x13400] =	vst v63  }
0x45: {  	_ = 	snop  }
0x46: {  	[tilespmem:s26], [sflag:$0x1] =	stream.indirect_vreg.gather [hbm4b:s3+s2], $0x80, v3, vm0, $0xb8;
	[tilespmem:$0x13400] =	vst v63  }
0x47: {  	_ = 	snop  }
0x48: {  	[tilespmem:s0], [sflag:$0x1] =	stream.indirect_vreg.gather [hbm4b:s5+s2], $0x80, v3, vm0, $0xb8;
	[tilespmem:$0x13400] =	vst v63  }
0x49: {  	v3 =	vld [tilespmem:$0x30];
	_ =	sdelay $0x4  }
0x4a: {  	v59 =	vshll.u32 v3, $0x2  }
0x4b: {  	v3 =	vand.u32 $0x7, v3;
	v4 =	vand.u32 $0xFFFFFFE0, v59  }
0x4c: {  	v3 =	vor.u32 v3, v4  }
0x4d: {  	v4 =	vperm.xlane v3, v0;
	_ =	sdelay $0x1  }
0x4e: {  	v4 =	vadd.s32 v1, v4;
	_ =	sdelay $0x1  }
0x4f: {  	v3 =	vperm.xlane v3, v2;
	_ =	sdelay $0x1  }
0x50: {  	v3 =	vadd.s32 v1, v3  }
0x51: {  	[tilespmem:s4], [sflag:$0x1] =	stream.indirect_vreg.gather [hbm4b:s3+s2], $0x80, v4, vm0, $0xb8;
	[tilespmem:$0x13400] =	vst v63  }
0x52: {  	_ = 	snop  }
0x53: {  	[tilespmem:s7], [sflag:$0x1] =	stream.indirect_vreg.gather [hbm4b:s5+s2], $0x80, v4, vm0, $0xb8;
	[tilespmem:$0x13400] =	vst v63  }
0x54: {  	_ = 	snop  }
0x55: {  	[tilespmem:s8], [sflag:$0x1] =	stream.indirect_vreg.gather [hbm4b:s3+s2], $0x80, v3, vm0, $0xb8;
	[tilespmem:$0x13400] =	vst v63  }
0x56: {  	_ = 	snop  }
0x57: {  	[tilespmem:s6], [sflag:$0x1] =	stream.indirect_vreg.gather [hbm4b:s5+s2], $0x80, v3, vm0, $0xb8;
	[tilespmem:$0x13400] =	vst v63  }
0x58: {  	v3 =	vld [tilespmem:$0x80];
	_ =	sdelay $0x4  }
0x59: {  	v60 =	vshll.u32 v3, $0x2  }
0x5a: {  	v3 =	vand.u32 $0x7, v3;
	v4 =	vand.u32 $0xFFFFFFE0, v60  }
0x5b: {  	v3 =	vor.u32 v3, v4  }
0x5c: {  	v4 =	vperm.xlane v3, v0;
	_ =	sdelay $0x1  }
0x5d: {  	v4 =	vadd.s32 v1, v4;
	_ =	sdelay $0x1  }
0x5e: {  	v3 =	vperm.xlane v3, v2;
	_ =	sdelay $0x1  }
0x5f: {  	v3 =	vadd.s32 v1, v3  }
0x60: {  	[tilespmem:s1], [sflag:$0x2] =	stream.indirect_vreg.gather [hbm4b:s3+s2], $0x80, v4, vm0, $0xb8;
	[tilespmem:$0x13400] =	vst v63  }
0x61: {  	_ = 	snop  }
0x62: {  	[tilespmem:s9], [sflag:$0x2] =	stream.indirect_vreg.gather [hbm4b:s5+s2], $0x80, v4, vm0, $0xb8;
	[tilespmem:$0x13400] =	vst v63  }
0x63: {  	_ = 	snop  }
0x64: {  	[tilespmem:s11], [sflag:$0x2] =	stream.indirect_vreg.gather [hbm4b:s3+s2], $0x80, v3, vm0, $0xb8;
	[tilespmem:$0x13400] =	vst v63  }
0x65: {  	_ = 	snop  }
0x66: {  	[tilespmem:s12], [sflag:$0x2] =	stream.indirect_vreg.gather [hbm4b:s5+s2], $0x80, v3, vm0, $0xb8;
	[tilespmem:$0x13400] =	vst v63  }
0x67: {  	v3 =	vld [tilespmem:$0x90];
	_ =	sdelay $0x4  }
0x68: {  	v61 =	vshll.u32 v3, $0x2  }
0x69: {  	v3 =	vand.u32 $0x7, v3;
	v4 =	vand.u32 $0xFFFFFFE0, v61  }
0x6a: {  	v3 =	vor.u32 v3, v4  }
0x6b: {  	v4 =	vperm.xlane v3, v0;
	_ =	sdelay $0x1  }
0x6c: {  	v4 =	vadd.s32 v1, v4;
	_ =	sdelay $0x1  }
0x6d: {  	v3 =	vperm.xlane v3, v2;
	_ =	sdelay $0x1  }
0x6e: {  	v3 =	vadd.s32 v1, v3  }
0x6f: {  	[tilespmem:s13], [sflag:$0x2] =	stream.indirect_vreg.gather [hbm4b:s3+s2], $0x80, v4, vm0, $0xb8;
	[tilespmem:$0x13400] =	vst v63  }
0x70: {  	_ = 	snop  }
0x71: {  	[tilespmem:s14], [sflag:$0x2] =	stream.indirect_vreg.gather [hbm4b:s5+s2], $0x80, v4, vm0, $0xb8;
	[tilespmem:$0x13400] =	vst v63  }
0x72: {  	_ = 	snop  }
0x73: {  	[tilespmem:s10], [sflag:$0x2] =	stream.indirect_vreg.gather [hbm4b:s3+s2], $0x80, v3, vm0, $0xb8;
	[tilespmem:$0x13400] =	vst v63  }
0x74: {  	s11 =	simm.s32 $0xEC00  }
0x75: {  	[tilespmem:s11], [sflag:$0x2] =	stream.indirect_vreg.gather [hbm4b:s5+s2], $0x80, v3, vm0, $0xb8;
	[tilespmem:$0x13400] =	vst v63  }
0x76: {  	v3 =	vld [tilespmem:$0xA0];
	_ =	sdelay $0x4  }
0x77: {  	v62 =	vshll.u32 v3, $0x2  }
0x78: {  	v3 =	vand.u32 $0x7, v3;
	v4 =	vand.u32 $0xFFFFFFE0, v62  }
0x79: {  	v3 =	vor.u32 v3, v4  }
0x7a: {  	v4 =	vperm.xlane v3, v0;
	_ =	sdelay $0x1  }
0x7b: {  	v4 =	vadd.s32 v1, v4;
	_ =	sdelay $0x1  }
0x7c: {  	v3 =	vperm.xlane v3, v2;
	_ =	sdelay $0x1  }
0x7d: {  	s12 =	simm.s32 $0xF400;
	v3 =	vadd.s32 v1, v3  }
0x7e: {  	[tilespmem:s12], [sflag:$0x2] =	stream.indirect_vreg.gather [hbm4b:s3+s2], $0x80, v4, vm0, $0xb8;
	[tilespmem:$0x13400] =	vst v63  }
0x7f: {  	s13 =	simm.s32 $0xFC00  }
0x80: {  	[tilespmem:s13], [sflag:$0x2] =	stream.indirect_vreg.gather [hbm4b:s5+s2], $0x80, v4, vm0, $0xb8;
	[tilespmem:$0x13400] =	vst v63  }
0x81: {  	s14 =	simm.s32 $0x10400  }
0x82: {  	[tilespmem:s14], [sflag:$0x2] =	stream.indirect_vreg.gather [hbm4b:s3+s2], $0x80, v3, vm0, $0xb8;
	[tilespmem:$0x13400] =	vst v63  }
0x83: {  	s19 =	simm.s32 $0x10C00  }
0x84: {  	[tilespmem:s19], [sflag:$0x2] =	stream.indirect_vreg.gather [hbm4b:s5+s2], $0x80, v3, vm0, $0xb8;
	[tilespmem:$0x13400] =	vst v63  }
0x85: {  	v3 =	vld [tilespmem:$0xB0];
	_ =	sdelay $0x4  }
0x86: {  	v63 =	vshll.u32 v3, $0x2  }
0x87: {  	v3 =	vand.u32 $0x7, v3;
	v4 =	vand.u32 $0xFFFFFFE0, v63  }
0x88: {  	v3 =	vor.u32 v3, v4  }
0x89: {  	v4 =	vperm.xlane v3, v0;
	_ =	sdelay $0x1  }
0x8a: {  	v4 =	vadd.s32 v1, v4;
	_ =	sdelay $0x1  }
0x8b: {  	s20 =	simm.s32 $0x11400;
	v3 =	vperm.xlane v3, v2  }
0x8c: {  	s23 =	simm.s32 $0x11C00;
	s24 =	simm.s32 $0x12400;
	s25 =	simm.s32 $0x12C00  }
0x8d: {  	s28 =	simm.s32 $0x6400;
	s29 =	simm.s32 $0x6C00;
	s30 =	simm.s32 $0x7400;
	v3 =	vadd.s32 v1, v3  }
0x8e: {  	[tilespmem:s20], [sflag:$0x2] =	stream.indirect_vreg.gather [hbm4b:s3+s2], $0x80, v4, vm0, $0xb8;
	[tilespmem:$0x13400] =	vst v63  }
0x8f: {  	s0 =	simm.s32 $0x8C00;
	s4 =	simm.s32 $0x9400;
	s7 =	simm.s32 $0x9C00  }
0x90: {  	[tilespmem:s23], [sflag:$0x2] =	stream.indirect_vreg.gather [hbm4b:s5+s2], $0x80, v4, vm0, $0xb8;
	[tilespmem:$0x13400] =	vst v63  }
0x91: {  	s8 =	simm.s32 $0xA400;
	s6 =	simm.s32 $0xAC00;
	s9 =	simm.s32 $0xBC00  }
0x92: {  	[tilespmem:s24], [sflag:$0x2] =	stream.indirect_vreg.gather [hbm4b:s3+s2], $0x80, v3, vm0, $0xb8;
	[tilespmem:$0x13400] =	vst v63  }
0x93: {  	s10 =	simm.s32 $0xE400;
	s11 =	simm.s32 $0xC400;
	s12 =	simm.s32 $0xCC00  }
0x94: {  	[tilespmem:s25], [sflag:$0x2] =	stream.indirect_vreg.gather [hbm4b:s5+s2], $0x80, v3, vm0, $0xb8;
	[tilespmem:$0x13400] =	vst v63  }
0x95: {  	s13 =	simm.s32 $0xD400;
	s14 =	simm.s32 $0xDC00;
	_ =	swait.ge [sflag:s15], $0x8000  }
0x96: {  	s19 =	simm.s32 $0xFF3C0000;
	s20 =	simm.s32 $0x1B0;
	[sflag:s15] =	ssyncset.done $0x0  }
0x97: {  	s23 =	simm.s32 $0x4C00;
	s26 =	rddreg [dreg:$0x5];
	[sflag:s15] =	ssyncadd.s32 $0xFFFF8000  }
0x98: {  	[hbm4b:s26+s2] =	stream.linear.scatter [tilespmem:s31], [sflag:$0x3], $0x8000, $0x38;
	[tilespmem:$0x13400] =	vst v63  }
0x99: {  	s25 =	simm.s32 $0x5C00;
	s26 =	simm.s32 $0x3400;
	s31 =	simm.s32 $0x7C00  }
.LBB2_2:
0x9a: {  	_ =	swait.ge [sflag:s16], $0x8000  }
0x9b: {  	[sflag:s16] =	ssyncset.done $0x0  }
0x9c: {  	[sflag:s16] =	ssyncadd.s32 $0xFFFF8000  }
0x9d: {  	v3 =	vld [tilespmem:s20+$0xFFFFFF50];
	_ =	sdelay $0x4  }
0x9e: {  	v4 =	vshll.u32 v3, $0x2  }
0x9f: {  	v3 =	vand.u32 $0x7, v3;
	v4 =	vand.u32 $0xFFFFFFE0, v4  }
0xa0: {  	v3 =	vor.u32 v3, v4  }
0xa1: {  	v4 =	vperm.xlane v3, v0;
	_ =	sdelay $0x1  }
0xa2: {  	v4 =	vadd.s32 v1, v4;
	_ =	sdelay $0x1  }
0xa3: {  	v3 =	vperm.xlane v3, v2;
	_ =	sdelay $0x1  }
0xa4: {  	v3 =	vadd.s32 v1, v3  }
0xa5: {  	[tilespmem:s26], [sflag:$0x1] =	stream.indirect_vreg.gather [hbm4b:s3+s2], $0x80, v4, vm0, $0xb8;
	[tilespmem:$0x13400] =	vst v63  }
0xa6: {  	_ = 	snop  }
0xa7: {  	[tilespmem:s21], [sflag:$0x1] =	stream.indirect_vreg.gather [hbm4b:s5+s2], $0x80, v4, vm0, $0xb8;
	[tilespmem:$0x13400] =	vst v63  }
0xa8: {  	_ = 	snop  }
0xa9: {  	[tilespmem:s22], [sflag:$0x1] =	stream.indirect_vreg.gather [hbm4b:s3+s2], $0x80, v3, vm0, $0xb8;
	[tilespmem:$0x13400] =	vst v63  }
0xaa: {  	_ = 	snop  }
0xab: {  	[tilespmem:s23], [sflag:$0x1] =	stream.indirect_vreg.gather [hbm4b:s5+s2], $0x80, v3, vm0, $0xb8;
	[tilespmem:$0x13400] =	vst v63  }
0xac: {  	v3 =	vld [tilespmem:s20+$0xFFFFFF60];
	_ =	sdelay $0x4  }
0xad: {  	v57 =	vshll.u32 v3, $0x2  }
0xae: {  	v3 =	vand.u32 $0x7, v3;
	v4 =	vand.u32 $0xFFFFFFE0, v57  }
0xaf: {  	v3 =	vor.u32 v3, v4  }
0xb0: {  	v4 =	vperm.xlane v3, v0;
	_ =	sdelay $0x1  }
0xb1: {  	v4 =	vadd.s32 v1, v4;
	_ =	sdelay $0x1  }
0xb2: {  	v3 =	vperm.xlane v3, v2;
	_ =	sdelay $0x1  }
0xb3: {  	s1 =	simm.s32 $0x5400;
	v3 =	vadd.s32 v1, v3  }
0xb4: {  	[tilespmem:s1], [sflag:$0x1] =	stream.indirect_vreg.gather [hbm4b:s3+s2], $0x80, v4, vm0, $0xb8;
	[tilespmem:$0x13400] =	vst v63  }
0xb5: {  	_ = 	snop  }
0xb6: {  	[tilespmem:s25], [sflag:$0x1] =	stream.indirect_vreg.gather [hbm4b:s5+s2], $0x80, v4, vm0, $0xb8;
	[tilespmem:$0x13400] =	vst v63  }
0xb7: {  	_ = 	snop  }
0xb8: {  	[tilespmem:s28], [sflag:$0x1] =	stream.indirect_vreg.gather [hbm4b:s3+s2], $0x80, v3, vm0, $0xb8;
	[tilespmem:$0x13400] =	vst v63  }
0xb9: {  	_ = 	snop  }
0xba: {  	[tilespmem:s29], [sflag:$0x1] =	stream.indirect_vreg.gather [hbm4b:s5+s2], $0x80, v3, vm0, $0xb8;
	[tilespmem:$0x13400] =	vst v63  }
0xbb: {  	v3 =	vld [tilespmem:s20+$0xFFFFFF70];
	_ =	sdelay $0x4  }
0xbc: {  	v58 =	vshll.u32 v3, $0x2  }
0xbd: {  	v3 =	vand.u32 $0x7, v3;
	v4 =	vand.u32 $0xFFFFFFE0, v58  }
0xbe: {  	v3 =	vor.u32 v3, v4  }
0xbf: {  	v4 =	vperm.xlane v3, v0;
	_ =	sdelay $0x1  }
0xc0: {  	v4 =	vadd.s32 v1, v4;
	_ =	sdelay $0x1  }
0xc1: {  	v3 =	vperm.xlane v3, v2;
	_ =	sdelay $0x1  }
0xc2: {  	v3 =	vadd.s32 v1, v3  }
0xc3: {  	[tilespmem:s30], [sflag:$0x1] =	stream.indirect_vreg.gather [hbm4b:s3+s2], $0x80, v4, vm0, $0xb8;
	[tilespmem:$0x13400] =	vst v63  }
0xc4: {  	_ = 	snop  }
0xc5: {  	[tilespmem:s31], [sflag:$0x1] =	stream.indirect_vreg.gather [hbm4b:s5+s2], $0x80, v4, vm0, $0xb8;
	[tilespmem:$0x13400] =	vst v63  }
0xc6: {  	s22 =	simm.s32 $0x8400  }
0xc7: {  	[tilespmem:s22], [sflag:$0x1] =	stream.indirect_vreg.gather [hbm4b:s3+s2], $0x80, v3, vm0, $0xb8;
	[tilespmem:$0x13400] =	vst v63  }
0xc8: {  	_ = 	snop  }
0xc9: {  	[tilespmem:s0], [sflag:$0x1] =	stream.indirect_vreg.gather [hbm4b:s5+s2], $0x80, v3, vm0, $0xb8;
	[tilespmem:$0x13400] =	vst v63  }
0xca: {  	v3 =	vld [tilespmem:s20+$0xFFFFFF80];
	_ =	sdelay $0x4  }
0xcb: {  	v59 =	vshll.u32 v3, $0x2  }
0xcc: {  	v3 =	vand.u32 $0x7, v3;
	v4 =	vand.u32 $0xFFFFFFE0, v59  }
0xcd: {  	v3 =	vor.u32 v3, v4  }
0xce: {  	v4 =	vperm.xlane v3, v0;
	_ =	sdelay $0x1  }
0xcf: {  	v4 =	vadd.s32 v1, v4;
	_ =	sdelay $0x1  }
0xd0: {  	v3 =	vperm.xlane v3, v2;
	_ =	sdelay $0x1  }
0xd1: {  	v3 =	vadd.s32 v1, v3  }
0xd2: {  	[tilespmem:s4], [sflag:$0x1] =	stream.indirect_vreg.gather [hbm4b:s3+s2], $0x80, v4, vm0, $0xb8;
	[tilespmem:$0x13400] =	vst v63  }
0xd3: {  	_ = 	snop  }
0xd4: {  	[tilespmem:s7], [sflag:$0x1] =	stream.indirect_vreg.gather [hbm4b:s5+s2], $0x80, v4, vm0, $0xb8;
	[tilespmem:$0x13400] =	vst v63  }
0xd5: {  	_ = 	snop  }
0xd6: {  	[tilespmem:s8], [sflag:$0x1] =	stream.indirect_vreg.gather [hbm4b:s3+s2], $0x80, v3, vm0, $0xb8;
	[tilespmem:$0x13400] =	vst v63  }
0xd7: {  	_ = 	snop  }
0xd8: {  	[tilespmem:s6], [sflag:$0x1] =	stream.indirect_vreg.gather [hbm4b:s5+s2], $0x80, v3, vm0, $0xb8;
	[tilespmem:$0x13400] =	vst v63  }
0xd9: {  	_ =	swait.ge [sflag:s17], $0x8000  }
0xda: {  	s24 =	rddreg [dreg:$0x3]  }
0xdb: {  	[sflag:s17] =	ssyncset.done $0x0;
	s21 =	sadd.s32 s19, s24  }
0xdc: {  	[sflag:s17] =	ssyncadd.s32 $0xFFFF8000;
	s24 =	simm.s32 $0xB400;
	s1 =	sadd.s32 $0xC41000, s21  }
0xdd: {  	[hbm4b:s1+s2] =	stream.linear.scatter [tilespmem:s24], [sflag:$0x4], $0x8000, $0x38;
	[tilespmem:$0x13400] =	vst v63  }
0xde: {  	_ =	swait.ge [sflag:s18], $0x8000  }
0xdf: {  	[sflag:s18] =	ssyncset.done $0x0  }
0xe0: {  	[sflag:s18] =	ssyncadd.s32 $0xFFFF8000  }
0xe1: {  	v3 =	vld [tilespmem:s20+$0xFFFFFFD0];
	_ =	sdelay $0x4  }
0xe2: {  	v60 =	vshll.u32 v3, $0x2  }
0xe3: {  	v3 =	vand.u32 $0x7, v3;
	v4 =	vand.u32 $0xFFFFFFE0, v60  }
0xe4: {  	v3 =	vor.u32 v3, v4  }
0xe5: {  	v4 =	vperm.xlane v3, v0;
	_ =	sdelay $0x1  }
0xe6: {  	v4 =	vadd.s32 v1, v4;
	_ =	sdelay $0x1  }
0xe7: {  	v3 =	vperm.xlane v3, v2;
	_ =	sdelay $0x1  }
0xe8: {  	v3 =	vadd.s32 v1, v3  }
0xe9: {  	[tilespmem:s24], [sflag:$0x2] =	stream.indirect_vreg.gather [hbm4b:s3+s2], $0x80, v4, vm0, $0xb8;
	[tilespmem:$0x13400] =	vst v63  }
0xea: {  	_ = 	snop  }
0xeb: {  	[tilespmem:s9], [sflag:$0x2] =	stream.indirect_vreg.gather [hbm4b:s5+s2], $0x80, v4, vm0, $0xb8;
	[tilespmem:$0x13400] =	vst v63  }
0xec: {  	_ = 	snop  }
0xed: {  	[tilespmem:s11], [sflag:$0x2] =	stream.indirect_vreg.gather [hbm4b:s3+s2], $0x80, v3, vm0, $0xb8;
	[tilespmem:$0x13400] =	vst v63  }
0xee: {  	_ = 	snop  }
0xef: {  	[tilespmem:s12], [sflag:$0x2] =	stream.indirect_vreg.gather [hbm4b:s5+s2], $0x80, v3, vm0, $0xb8;
	[tilespmem:$0x13400] =	vst v63  }
0xf0: {  	v3 =	vld [tilespmem:s20+$0xFFFFFFE0];
	_ =	sdelay $0x4  }
0xf1: {  	v61 =	vshll.u32 v3, $0x2  }
0xf2: {  	v3 =	vand.u32 $0x7, v3;
	v4 =	vand.u32 $0xFFFFFFE0, v61  }
0xf3: {  	v3 =	vor.u32 v3, v4  }
0xf4: {  	v4 =	vperm.xlane v3, v0;
	_ =	sdelay $0x1  }
0xf5: {  	v4 =	vadd.s32 v1, v4;
	_ =	sdelay $0x1  }
0xf6: {  	v3 =	vperm.xlane v3, v2;
	_ =	sdelay $0x1  }
0xf7: {  	v3 =	vadd.s32 v1, v3  }
0xf8: {  	[tilespmem:s13], [sflag:$0x2] =	stream.indirect_vreg.gather [hbm4b:s3+s2], $0x80, v4, vm0, $0xb8;
	[tilespmem:$0x13400] =	vst v63  }
0xf9: {  	_ = 	snop  }
0xfa: {  	[tilespmem:s14], [sflag:$0x2] =	stream.indirect_vreg.gather [hbm4b:s5+s2], $0x80, v4, vm0, $0xb8;
	[tilespmem:$0x13400] =	vst v63  }
0xfb: {  	_ = 	snop  }
0xfc: {  	[tilespmem:s10], [sflag:$0x2] =	stream.indirect_vreg.gather [hbm4b:s3+s2], $0x80, v3, vm0, $0xb8;
	[tilespmem:$0x13400] =	vst v63  }
0xfd: {  	s24 =	simm.s32 $0xEC00  }
0xfe: {  	[tilespmem:s24], [sflag:$0x2] =	stream.indirect_vreg.gather [hbm4b:s5+s2], $0x80, v3, vm0, $0xb8;
	[tilespmem:$0x13400] =	vst v63  }
0xff: {  	v3 =	vld [tilespmem:s20+$0xFFFFFFF0];
	_ =	sdelay $0x4  }
0x100: {  	v62 =	vshll.u32 v3, $0x2  }
0x101: {  	v3 =	vand.u32 $0x7, v3;
	v4 =	vand.u32 $0xFFFFFFE0, v62  }
0x102: {  	v3 =	vor.u32 v3, v4  }
0x103: {  	v4 =	vperm.xlane v3, v0;
	_ =	sdelay $0x1  }
0x104: {  	v4 =	vadd.s32 v1, v4;
	_ =	sdelay $0x1  }
0x105: {  	v3 =	vperm.xlane v3, v2;
	_ =	sdelay $0x1  }
0x106: {  	s24 =	simm.s32 $0xF400;
	v3 =	vadd.s32 v1, v3  }
0x107: {  	[tilespmem:s24], [sflag:$0x2] =	stream.indirect_vreg.gather [hbm4b:s3+s2], $0x80, v4, vm0, $0xb8;
	[tilespmem:$0x13400] =	vst v63  }
0x108: {  	s24 =	simm.s32 $0xFC00  }
0x109: {  	[tilespmem:s24], [sflag:$0x2] =	stream.indirect_vreg.gather [hbm4b:s5+s2], $0x80, v4, vm0, $0xb8;
	[tilespmem:$0x13400] =	vst v63  }
0x10a: {  	s24 =	simm.s32 $0x10400  }
0x10b: {  	[tilespmem:s24], [sflag:$0x2] =	stream.indirect_vreg.gather [hbm4b:s3+s2], $0x80, v3, vm0, $0xb8;
	[tilespmem:$0x13400] =	vst v63  }
0x10c: {  	s24 =	simm.s32 $0x10C00  }
0x10d: {  	[tilespmem:s24], [sflag:$0x2] =	stream.indirect_vreg.gather [hbm4b:s5+s2], $0x80, v3, vm0, $0xb8;
	[tilespmem:$0x13400] =	vst v63  }
0x10e: {  	v3 =	vld [tilespmem:s20+$0x0];
	_ =	sdelay $0x4  }
0x10f: {  	v63 =	vshll.u32 v3, $0x2  }
0x110: {  	v3 =	vand.u32 $0x7, v3;
	v4 =	vand.u32 $0xFFFFFFE0, v63  }
0x111: {  	v3 =	vor.u32 v3, v4  }
0x112: {  	v4 =	vperm.xlane v3, v0;
	_ =	sdelay $0x1  }
0x113: {  	v4 =	vadd.s32 v1, v4;
	_ =	sdelay $0x1  }
0x114: {  	v3 =	vperm.xlane v3, v2;
	_ =	sdelay $0x1  }
0x115: {  	s24 =	simm.s32 $0x11400;
	v3 =	vadd.s32 v1, v3  }
0x116: {  	[tilespmem:s24], [sflag:$0x2] =	stream.indirect_vreg.gather [hbm4b:s3+s2], $0x80, v4, vm0, $0xb8;
	[tilespmem:$0x13400] =	vst v63  }
0x117: {  	s24 =	simm.s32 $0x11C00  }
0x118: {  	[tilespmem:s24], [sflag:$0x2] =	stream.indirect_vreg.gather [hbm4b:s5+s2], $0x80, v4, vm0, $0xb8;
	[tilespmem:$0x13400] =	vst v63  }
0x119: {  	s24 =	simm.s32 $0x12400  }
0x11a: {  	[tilespmem:s24], [sflag:$0x2] =	stream.indirect_vreg.gather [hbm4b:s3+s2], $0x80, v3, vm0, $0xb8;
	[tilespmem:$0x13400] =	vst v63  }
0x11b: {  	p0 =	sne.s32 s19, $0xFFFC0000;
	s24 =	simm.s32 $0x12C00  }
0x11c: {  	[tilespmem:s24], [sflag:$0x2] =	stream.indirect_vreg.gather [hbm4b:s5+s2], $0x80, v3, vm0, $0xb8;
	[tilespmem:$0x13400] =	vst v63  }
.Ltmp0:
0x11d: {  	_ =	swait.ge [sflag:s15], $0x8000;
	(pc) =	sbr.rel @p0 .LBB2_2-.Ltmp0, $4  }
0x11e: {  	s22 =	simm.s32 $0x4400;
	[sflag:s15] =	ssyncset.done $0x0  }
0x11f: {  	s19 =	sadd.s32 $0x40000, s19;
	s21 =	sadd.s32 $0xC80000, s21;
	[sflag:s15] =	ssyncadd.s32 $0xFFFF8000  }
0x120: {  	[hbm4b:s21+s2] =	stream.linear.scatter [tilespmem:s26], [sflag:$0x3], $0x8000, $0x38;
	[tilespmem:$0x13400] =	vst v63  }
0x121: {  	s1 =	simm.s32 $0xB400;
	s20 =	sadd.s32 $0x100, s20;
	s21 =	simm.s32 $0x3C00  }
0x122: {  	_ =	swait.ge [sflag:s17], $0x8000  }
0x123: {  	[sflag:s17] =	ssyncset.done $0x0  }
0x124: {  	s19 =	rddreg [dreg:$0x6];
	[sflag:s17] =	ssyncadd.s32 $0xFFFF8000  }
0x125: {  	[hbm4b:s19+s2] =	stream.linear.scatter [tilespmem:s1], [sflag:$0x4], $0x8000, $0x38;
	[tilespmem:$0x13400] =	vst v63  }
0x126: {  	_ =	swait.ge [sflag:s16], $0x8000  }
0x127: {  	[sflag:s16] =	ssyncset.done $0x0  }
0x128: {  	s20 =	simm.s32 $0x4C00;
	s23 =	simm.s32 $0x5400;
	[sflag:s16] =	ssyncadd.s32 $0xFFFF8000  }
0x129: {  	s24 =	simm.s32 $0x5C00;
	s25 =	simm.s32 $0x6400;
	_ =	swait.ge [sflag:s18], $0x8000  }
0x12a: {  	s28 =	simm.s32 $0x6C00;
	s29 =	simm.s32 $0x7400;
	s0 =	rddreg [dreg:$0x8]  }
0x12b: {  	s30 =	simm.s32 $0x7C00;
	s26 =	rddreg [dreg:$0x7];
	s0 =	sadd.s32 $0x1, s0  }
0x12c: {  	s4 =	simm.s32 $0x9400;
	s7 =	simm.s32 $0x9C00;
	p0 =	sne.s32 s0, s26  }
.Ltmp1:
0x12d: {  	s8 =	simm.s32 $0xA400;
	s6 =	simm.s32 $0xAC00;
	(pc) =	sbr.rel @p0 .LBB2_1-.Ltmp1, $4  }
0x12e: {  	s9 =	simm.s32 $0xBC00;
	s11 =	simm.s32 $0xC400;
	s12 =	simm.s32 $0xCC00  }
0x12f: {  	s13 =	simm.s32 $0xD400;
	s14 =	simm.s32 $0xDC00;
	[sflag:s18] =	ssyncset.done $0x0  }
0x130: {  	s10 =	simm.s32 $0xE400;
	s31 =	simm.s32 $0x3400;
	[sflag:s18] =	ssyncadd.s32 $0xFFFF8000  }
0x131: {  	[dreg:$0x8] =	wrdreg s0;
	s26 =	simm.s32 $0x8400;
	s0 =	simm.s32 $0x8C00  }
0x132: {  	_ =	sfence.sel $0x180000  }
0x133: {  	[bflag:$0x0] =	sbarrier.arrive $0xFFFF  }
0x134: {  	_ =	strace $0x90000047  }
0x135: {  	s0 =	stileid.u32;
	[bflag:$0x2] =	sbarrier.arrive $0xFFFF  }
0x136: {  	p0 =	sne.s32 s0, $0x0;
	s0 =	rddreg [dreg:$0x2]  }
0x137: {  	s0 =	sadd.s32 @!p0 $0x100000, s0  }
0x138: {  	[sflag:s0] =	ssyncadd.tile.s32 @!p0 $0x1;
	_ =	shalt  }
.Lfunc_end2:
_tile_overlayer_lowered:
.L_overlay_start_2:
0x139: {  	(tag) =	ssettag $0x2  }
0x13a: {  	s0 =	rddreg [dreg:$0x0];
	s2 =	stileid.u32  }
0x13b: {  	s1 =	rddreg [dreg:$0x1];
	p0 =	sne.s32 s2, $0x0  }
0x13c: {  	s3 =	rddreg [dreg:$0x2];
	[bflag:$0x3] =	sbarrier.arrive $0xFFFF;
	s2 =	simm.s32 @!p0 $0x1C05  }
0x13d: {  	[timem:s3], [sflag:s2] =	dma.local @!p0 [hbm:s0], s1  }
0x13e: {  	s0 =	simm.s32 @!p0 $0x5  }
0x13f: {  	_ =	swait.ge @!p0 [sflag:s0], s1  }
0x140: {  	s1 =	ssub.s32 @!p0 $0x0, s1;
	[sflag:s0] =	ssyncset.done @!p0 $0x0  }
0x141: {  	[sflag:s0] =	ssyncadd.s32 @!p0 s1  }
0x142: {  	[bflag:$0x3] =	sbarrier.arrive $0xFFFF  }
0x143: {  	_ =	shalt  }

</sc_bundles>
